<compile_context>
chip_gen: v7x
topology: tpu7x:2x2x1
jax: 0.10.2.dev20260603
libtpu: 0.0.44.dev20260713+nightly
codegen_flags: <defaults>
</compile_context>

<pallas_src>
import functools

import jax
import jax.numpy as jnp
from jax import lax
from jax.experimental import pallas as pl
from jax.experimental.pallas import tpu as pltpu
from jax.experimental.pallas import tpu_sc as plsc

B, L, D, P = 64, 5941, 32, 64
PX = 72
ROWS_PER = 96
LPAD = B * ROWS_PER
NW = 32
N_REAL = B * P + B
N_PAD = 4352
B_PER_W = N_PAD // NW
CHUNKS = ((0, 128), (128, 8))
WF = LPAD // 4




def _fused_body(d_ref, w_ref, b_ref, etv_ref, pidx_ref, dw_ref, pe_ref):
    dw_ref[...] = (
        jnp.dot(
            d_ref[...].astype(jnp.bfloat16),
            w_ref[...].astype(jnp.bfloat16),
            preferred_element_type=jnp.float32,
        )
        + b_ref[...]
    )

    idx_row = pidx_ref[0]
    iota_l = lax.broadcasted_iota(jnp.int32, (L, PX), 0)
    oh = (iota_l == idx_row).astype(jnp.bfloat16)
    h = (etv_ref[0] * 0.05).astype(jnp.bfloat16)
    pe_ref[0] = lax.dot_general(h, oh, (((1,), (0,)), ((), ())),
                                preferred_element_type=jnp.float32)


def _fused_dw_egather(distance_matrix, W, b, etv, pidx_ext):
    return pl.pallas_call(
        _fused_body,
        grid=(B,),
        in_specs=[
            pl.BlockSpec((ROWS_PER, L),
                         lambda i: (jnp.minimum(i, (L - 1) // ROWS_PER), 0)),
            pl.BlockSpec((L, D), lambda i: (0, 0)),
            pl.BlockSpec((1, D), lambda i: (0, 0)),
            pl.BlockSpec((1, D, L), lambda i: (i, 0, 0)),
            pl.BlockSpec((1, 1, PX), lambda i: (i, 0, 0)),
        ],
        out_specs=[
            pl.BlockSpec((ROWS_PER, D), lambda i: (i, 0)),
            pl.BlockSpec((1, D, PX), lambda i: (i, 0, 0)),
        ],
        out_shape=[
            jax.ShapeDtypeStruct((LPAD, D), jnp.float32),
            jax.ShapeDtypeStruct((B, D, PX), jnp.float32),
        ],
    )(distance_matrix, W, b.reshape(1, D), etv, pidx_ext)




def _sc_gather_body(tab_hbm, idx_hbm, out_hbm, idx_v, rows_v, sem):
    wid = lax.axis_index("s") * 2 + lax.axis_index("c")
    base = wid * B_PER_W
    pltpu.sync_copy(idx_hbm.at[pl.ds(base, B_PER_W)], idx_v)
    for off, cs in CHUNKS:
        pltpu.async_copy(
            tab_hbm.at[idx_v.at[pl.ds(off, cs)]],
            rows_v.at[pl.ds(off, cs)],
            sem,
        ).wait()
    pltpu.sync_copy(rows_v, out_hbm.at[pl.ds(base, B_PER_W)])


def _sc_gather(table_fat, idx):
    mesh = plsc.VectorSubcoreMesh(core_axis_name="c", subcore_axis_name="s")
    kern = functools.partial(
        pl.kernel,
        mesh=mesh,
        out_type=jax.ShapeDtypeStruct((N_PAD, 4 * D), jnp.float32),
        scratch_types=[
            pltpu.VMEM((B_PER_W,), jnp.int32),
            pltpu.VMEM((B_PER_W, 4 * D), jnp.float32),
            pltpu.SemaphoreType.DMA,
        ],
    )(_sc_gather_body)
    return kern(table_fat, idx)




def _quarter(fat, q):
    out = fat[:, 0:D]
    for g in (1, 2, 3):
        out = jnp.where(q == g, fat[:, g * D : (g + 1) * D], out)
    return out


def _loop_body(peT_ref, pw_ref, dw_ref, ql_ref, qdw_ref, out_ref,
               pwb_ref, dwb_ref, at_ref, a0_ref):
    pwb_ref[...] = (_quarter(pw_ref[...], ql_ref[...]) * 0.05
                    ).astype(jnp.bfloat16)
    dwb_ref[...] = (_quarter(dw_ref[...], qdw_ref[...]) * 0.05
                    ).astype(jnp.bfloat16).astype(jnp.float32)

    def gram(bi, _):
        blk = peT_ref[pl.ds(bi, 1)][0]
        ebf = blk[:, 0:P].astype(jnp.bfloat16)
        debf = blk[:, P : P + 1].astype(jnp.bfloat16)
        wbk = pwb_ref[pl.ds(bi * P, P), :]
        dwk = dwb_ref[pl.ds(bi, 1), :].astype(jnp.bfloat16)
        a_e = lax.dot_general(ebf, ebf, (((0,), (0,)), ((), ())),
                              preferred_element_type=jnp.float32)
        a_w = lax.dot_general(wbk, wbk, (((1,), (1,)), ((), ())),
                              preferred_element_type=jnp.float32)
        at_ref[:, pl.ds(bi, 1), :] = (a_e + a_w)[:, None, :]
        a0_e = lax.dot_general(debf, ebf, (((0,), (0,)), ((), ())),
                               preferred_element_type=jnp.float32)
        a0_w = lax.dot_general(dwk, wbk, (((1,), (1,)), ((), ())),
                               preferred_element_type=jnp.float32)
        a0_ref[pl.ds(bi, 1), :] = a0_e + a0_w
        return 0

    lax.fori_loop(0, B, gram, 0)

    iota_p = lax.broadcasted_iota(jnp.int32, (B, P), 1)

    def step(t, carry):
        attn, mask = carry
        mx = jnp.max(attn, axis=1, keepdims=True)
        e = jnp.exp(attn - mx)
        out_ref[pl.ds(t, 1)] = (e / jnp.sum(e, axis=1, keepdims=True))[None]
        masked = attn * mask
        mmax = jnp.max(masked, axis=1, keepdims=True)
        cand = jnp.where(masked == mmax, iota_p, P)
        sel = jnp.min(cand, axis=1, keepdims=True)
        onehot = (iota_p == sel).astype(jnp.float32)
        mask = mask * (1.0 - onehot)
        oh2 = jnp.swapaxes(onehot, 0, 1)
        attn = jnp.sum(at_ref[...] * oh2[:, :, None], axis=0)
        return attn, mask

    lax.fori_loop(0, P, step, (a0_ref[...], jnp.ones((B, P), jnp.float32)))


def _pointer_loop(peT, pw, dw, ql, qdw):
    return pl.pallas_call(
        _loop_body,
        out_shape=jax.ShapeDtypeStruct((P, B, P), jnp.float32),
        scratch_shapes=[
            pltpu.VMEM((B * P, D), jnp.bfloat16),
            pltpu.VMEM((B, D), jnp.float32),
            pltpu.VMEM((P, B, P), jnp.float32),
            pltpu.VMEM((B, P), jnp.float32),
        ],
    )(peT, pw, dw, ql, qdw)




def kernel(edge_rep, distance_matrix, W, b, passenger_idx, driver_idx):
    p_idx = passenger_idx.astype(jnp.int32)
    d_idx = driver_idx.astype(jnp.int32)
    pidx_ext = jnp.concatenate(
        [p_idx, d_idx[:, None],
         jnp.zeros((B, PX - P - 1), jnp.int32)], axis=1
    ).reshape(B, 1, PX)

    etv = jnp.transpose(edge_rep, (0, 2, 1))
    dwt, peT = _fused_dw_egather(distance_matrix, W, b, etv, pidx_ext)

    p_flat = p_idx.reshape(-1)
    pad = jnp.zeros((N_PAD - N_REAL,), jnp.int32)
    lidx = jnp.concatenate([p_flat, d_idx, pad])
    gw = _sc_gather(dwt.reshape(WF, 4 * D), lidx // 4)

    ql = (lidx % 4).reshape(N_PAD, 1)
    out = _pointer_loop(peT, gw[: B * P], gw[B * P : N_REAL],
                        ql[: B * P], ql[B * P : N_REAL])
    return jnp.transpose(out, (1, 0, 2))

# --- scband reference (transcript-rebuilt; emitter-appended) ---
"""Pipeline reference for scband-decoder-83021717831907 (READ-ONLY COPY).

The authoritative reference and input builder live on the scoring server;
editing this copy changes nothing except your own understanding.
"""

import jax, jax.numpy as jnp
import numpy as np

B, L, D, P = 64, 5941, 32, 64

def setup_inputs(seed: int = 0) -> dict:
    key = jax.random.key(seed)
    ks = jax.random.split(key, 6)
    return {
        "edge_rep": jax.random.normal(ks[0], (B, L, D), dtype=jnp.float32),
        "distance_matrix": jax.random.normal(ks[1], (L, L), dtype=jnp.float32),
        "W": jax.random.normal(ks[2], (L, 32), dtype=jnp.float32) * 0.02,
        "b": jnp.zeros((32,), dtype=jnp.float32),
        "passenger_idx": jax.random.randint(ks[3], (B, P), 0, L),
        "driver_idx": jax.random.randint(ks[4], (B,), 0, L),
    }

def reference(edge_rep, distance_matrix, W, b, passenger_idx, driver_idx):
    # Faithful distillation of Decoder.forward: per case, build passenger reps
    # as concat(gathered edge_rep, Linear(gathered distance rows)), then run a
    # pointer-network loop: attn = passenger_reps @ driver_rep, record softmax,
    # masked argmax selects next driver, one-hot mask update removes it.
    def lin(x):
        return x @ W + b

    def per_case(case_rep, p_idx, d_idx):
        pass_rep = jnp.take(case_rep, p_idx, axis=0)              # [P, D] gather
        pass_dist = jnp.take(distance_matrix, p_idx, axis=0)      # [P, L] gather
        pass_reps = jnp.concatenate([pass_rep, lin(pass_dist)], axis=1) * 0.05  # [P, D+32]
        driver0 = jnp.concatenate([case_rep[d_idx], lin(distance_matrix[d_idx])]) * 0.05
        mask0 = jnp.ones((P,), dtype=jnp.float32)

        def step(carry, _):
            driver, mask = carry
            attn = pass_reps @ driver                              # [P]
            probs = jax.nn.softmax(attn)                           # recorded 'indices' row
            masked_attn = attn * mask                              # mask_on.T multiply
            sel = jnp.argmax(masked_attn)                          # pointer
            one_hot = jax.nn.one_hot(sel, P, dtype=jnp.float32)    # one_hot_pointers
            new_mask = mask * (1.0 - one_hot)                      # mask_on update
            link = p_idx[sel]
            new_driver = jnp.concatenate([case_rep[link], lin(distance_matrix[link])]) * 0.05
            return (new_driver, new_mask), probs

        (_, _), probs_seq = jax.lax.scan(step, (driver0, mask0), None, length=P)
        return probs_seq                                           # [P, P]

    return jax.vmap(per_case)(edge_rep, passenger_idx, driver_idx)  # [B, P, P]

if __name__ == "__main__":
    import jax
    _d = setup_inputs()
    print(jax.jit(kernel)(*tuple(_d.values())))

</pallas_src>

<mosaic_0001>
#map = affine_map<(d0, d1) -> (0, 0)>
#map1 = affine_map<(d0, d1) -> (0)>
module attributes {stable_mosaic.version = 14 : i64} {
  func.func @_sc_gather_body(%arg0: i32, %arg1: i32, %arg2: memref<1536x128xf32, #tpu.memory_space<hbm>>, %arg3: memref<4352xi32, #tpu.memory_space<hbm>>, %arg4: memref<4352x128xf32, #tpu.memory_space<hbm>>, %arg5: memref<136xi32, #tpu.memory_space<vmem>>, %arg6: memref<136x128xf32, #tpu.memory_space<vmem>>, %arg7: memref<!tpu.dma_semaphore, #tpu.memory_space<semaphore_mem>>) attributes {dimension_semantics = [#tpu.dimension_semantics<core_parallel>, #tpu.dimension_semantics<subcore_parallel>], iteration_bounds = array<i64: 2, 16>, scalar_prefetch = 0 : i64, scratch_operands = 3 : i64, tpu.core_type = #tpu.core_type<sc_vector_subcore>, window_params = [{transform_indices = #map}, {transform_indices = #map1}, {transform_indices = #map}]} {
    %mul3A = arith.constant 2 : i32
    %mul3A_0 = arith.muli %arg1, %mul3A : i32
    %add3A = arith.addi %mul3A_0, %arg0 : i32
    %mul3A_1 = arith.constant 136 : i32
    %mul3A_2 = arith.muli %add3A, %mul3A_1 : i32
    "tpu.region"() ({
      %run_scoped3A = tpu.sem_alloc : memref<!tpu.dma_semaphore, #tpu.memory_space<semaphore_mem>>
      %dma_start3A_33 = tpu.memref_slice %arg3[%mul3A_2] : memref<4352xi32, #tpu.memory_space<hbm>> -> memref<136xi32, #tpu.memory_space<hbm>>
      %dma_start3A_34 = tpu.memref_slice %arg3[%mul3A_2] : memref<4352xi32, #tpu.memory_space<hbm>> -> memref<136xi32, #tpu.memory_space<hbm>>
      tpu.enqueue_dma source(%dma_start3A_34 : memref<136xi32, #tpu.memory_space<hbm>>) target(%arg5 : memref<136xi32, #tpu.memory_space<vmem>>) target_semaphore(%run_scoped3A : memref<!tpu.dma_semaphore, #tpu.memory_space<semaphore_mem>>)
      %dma_wait3A_35 = tpu.memref_slice %arg3[%mul3A_2] : memref<4352xi32, #tpu.memory_space<hbm>> -> memref<136xi32, #tpu.memory_space<hbm>>
      %dma_wait3A_36 = tpu.memref_slice %arg3[%mul3A_2] : memref<4352xi32, #tpu.memory_space<hbm>> -> memref<136xi32, #tpu.memory_space<hbm>>
      tpu.wait_dma2 semaphore(%run_scoped3A : memref<!tpu.dma_semaphore, #tpu.memory_space<semaphore_mem>>) src(%dma_wait3A_36 : memref<136xi32, #tpu.memory_space<hbm>>) dst(%arg5 : memref<136xi32, #tpu.memory_space<vmem>>)
      tpu.yield
    }) : () -> ()
    %dma_start3A = arith.constant 0 : i32
    %dma_start3A_3 = arith.constant 0 : i32
    %dma_start3A_4 = tpu.memref_slice %arg6[%dma_start3A, %dma_start3A_3] : memref<136x128xf32, #tpu.memory_space<vmem>> -> memref<128x128xf32, #tpu.memory_space<vmem>>
    %dma_start3A_5 = arith.constant 0 : i32
    %dma_start3A_6 = tpu.memref_slice %arg5[%dma_start3A_5] : memref<136xi32, #tpu.memory_space<vmem>> -> memref<128xi32, #tpu.memory_space<vmem>>
    %dma_start3A_7 = arith.constant 0 : i32
    %dma_start3A_8 = arith.constant 0 : i32
    %dma_start3A_9 = tpu.memref_slice %arg2[%dma_start3A_7, %dma_start3A_8] : memref<1536x128xf32, #tpu.memory_space<hbm>> -> memref<1536x128xf32, #tpu.memory_space<hbm>>
    tpu.enqueue_indirect_dma source(%dma_start3A_9 : memref<1536x128xf32, #tpu.memory_space<hbm>>) target(%dma_start3A_4 : memref<128x128xf32, #tpu.memory_space<vmem>>) offsets(%dma_start3A_6 : memref<128xi32, #tpu.memory_space<vmem>>) semaphore(%arg7 : memref<!tpu.dma_semaphore, #tpu.memory_space<semaphore_mem>>)
    %dma_wait3A = arith.constant 0 : i32
    %dma_wait3A_10 = arith.constant 0 : i32
    %dma_wait3A_11 = tpu.memref_slice %arg6[%dma_wait3A, %dma_wait3A_10] : memref<136x128xf32, #tpu.memory_space<vmem>> -> memref<128x128xf32, #tpu.memory_space<vmem>>
    %dma_wait3A_12 = arith.constant 0 : i32
    %dma_wait3A_13 = tpu.memref_slice %arg5[%dma_wait3A_12] : memref<136xi32, #tpu.memory_space<vmem>> -> memref<128xi32, #tpu.memory_space<vmem>>
    %dma_wait3A_14 = arith.constant 0 : i32
    %dma_wait3A_15 = arith.constant 0 : i32
    %dma_wait3A_16 = tpu.memref_slice %arg2[%dma_wait3A_14, %dma_wait3A_15] : memref<1536x128xf32, #tpu.memory_space<hbm>> -> memref<1536x128xf32, #tpu.memory_space<hbm>>
    tpu.wait_indirect_dma semaphore(%arg7 : memref<!tpu.dma_semaphore, #tpu.memory_space<semaphore_mem>>) src(%dma_wait3A_16 : memref<1536x128xf32, #tpu.memory_space<hbm>>) dst(%dma_wait3A_11 : memref<128x128xf32, #tpu.memory_space<vmem>>)
    %dma_start3A_17 = arith.constant 128 : i32
    %dma_start3A_18 = arith.constant 0 : i32
    %dma_start3A_19 = tpu.memref_slice %arg6[%dma_start3A_17, %dma_start3A_18] : memref<136x128xf32, #tpu.memory_space<vmem>> -> memref<8x128xf32, #tpu.memory_space<vmem>>
    %dma_start3A_20 = arith.constant 128 : i32
    %dma_start3A_21 = tpu.memref_slice %arg5[%dma_start3A_20] : memref<136xi32, #tpu.memory_space<vmem>> -> memref<8xi32, #tpu.memory_space<vmem>>
    %dma_start3A_22 = arith.constant 0 : i32
    %dma_start3A_23 = arith.constant 0 : i32
    %dma_start3A_24 = tpu.memref_slice %arg2[%dma_start3A_22, %dma_start3A_23] : memref<1536x128xf32, #tpu.memory_space<hbm>> -> memref<1536x128xf32, #tpu.memory_space<hbm>>
    tpu.enqueue_indirect_dma source(%dma_start3A_24 : memref<1536x128xf32, #tpu.memory_space<hbm>>) target(%dma_start3A_19 : memref<8x128xf32, #tpu.memory_space<vmem>>) offsets(%dma_start3A_21 : memref<8xi32, #tpu.memory_space<vmem>>) semaphore(%arg7 : memref<!tpu.dma_semaphore, #tpu.memory_space<semaphore_mem>>)
    %dma_wait3A_25 = arith.constant 128 : i32
    %dma_wait3A_26 = arith.constant 0 : i32
    %dma_wait3A_27 = tpu.memref_slice %arg6[%dma_wait3A_25, %dma_wait3A_26] : memref<136x128xf32, #tpu.memory_space<vmem>> -> memref<8x128xf32, #tpu.memory_space<vmem>>
    %dma_wait3A_28 = arith.constant 128 : i32
    %dma_wait3A_29 = tpu.memref_slice %arg5[%dma_wait3A_28] : memref<136xi32, #tpu.memory_space<vmem>> -> memref<8xi32, #tpu.memory_space<vmem>>
    %dma_wait3A_30 = arith.constant 0 : i32
    %dma_wait3A_31 = arith.constant 0 : i32
    %dma_wait3A_32 = tpu.memref_slice %arg2[%dma_wait3A_30, %dma_wait3A_31] : memref<1536x128xf32, #tpu.memory_space<hbm>> -> memref<1536x128xf32, #tpu.memory_space<hbm>>
    tpu.wait_indirect_dma semaphore(%arg7 : memref<!tpu.dma_semaphore, #tpu.memory_space<semaphore_mem>>) src(%dma_wait3A_32 : memref<1536x128xf32, #tpu.memory_space<hbm>>) dst(%dma_wait3A_27 : memref<8x128xf32, #tpu.memory_space<vmem>>)
    "tpu.region"() ({
      %run_scoped3A = tpu.sem_alloc : memref<!tpu.dma_semaphore, #tpu.memory_space<semaphore_mem>>
      %dma_start3A_33 = arith.constant 0 : i32
      %dma_start3A_34 = tpu.memref_slice %arg4[%mul3A_2, %dma_start3A_33] : memref<4352x128xf32, #tpu.memory_space<hbm>> -> memref<136x128xf32, #tpu.memory_space<hbm>>
      %dma_start3A_35 = arith.constant 0 : i32
      %dma_start3A_36 = tpu.memref_slice %arg4[%mul3A_2, %dma_start3A_35] : memref<4352x128xf32, #tpu.memory_space<hbm>> -> memref<136x128xf32, #tpu.memory_space<hbm>>
      tpu.enqueue_dma source(%arg6 : memref<136x128xf32, #tpu.memory_space<vmem>>) target(%dma_start3A_36 : memref<136x128xf32, #tpu.memory_space<hbm>>) target_semaphore(%run_scoped3A : memref<!tpu.dma_semaphore, #tpu.memory_space<semaphore_mem>>)
      %dma_wait3A_37 = arith.constant 0 : i32
      %dma_wait3A_38 = tpu.memref_slice %arg4[%mul3A_2, %dma_wait3A_37] : memref<4352x128xf32, #tpu.memory_space<hbm>> -> memref<136x128xf32, #tpu.memory_space<hbm>>
      %dma_wait3A_39 = arith.constant 0 : i32
      %dma_wait3A_40 = tpu.memref_slice %arg4[%mul3A_2, %dma_wait3A_39] : memref<4352x128xf32, #tpu.memory_space<hbm>> -> memref<136x128xf32, #tpu.memory_space<hbm>>
      tpu.wait_dma2 semaphore(%run_scoped3A : memref<!tpu.dma_semaphore, #tpu.memory_space<semaphore_mem>>) src(%arg6 : memref<136x128xf32, #tpu.memory_space<vmem>>) dst(%dma_wait3A_40 : memref<136x128xf32, #tpu.memory_space<hbm>>)
      tpu.yield
    }) : () -> ()
    return
  }
}

module attributes {stable_mosaic.version = 14 : i64} {
  func.func @_fused_body(%arg0: i32, %arg1: memref<96x5941xf32, #tpu.memory_space<vmem>>, %arg2: memref<5941x32xf32, #tpu.memory_space<vmem>>, %arg3: memref<1x32xf32, #tpu.memory_space<vmem>>, %arg4: memref<1x32x5941xf32, #tpu.memory_space<vmem>>, %arg5: memref<1x1x72xi32, #tpu.memory_space<vmem>>, %arg6: memref<96x32xf32, #tpu.memory_space<vmem>>, %arg7: memref<1x32x72xf32, #tpu.memory_space<vmem>>) attributes {dimension_semantics = [#tpu.dimension_semantics<arbitrary>], iteration_bounds = array<i64: 64>, scalar_prefetch = 0 : i64, scratch_operands = 0 : i64, tpu.core_type = #tpu.core_type<tc>, window_params = [{transform_indices = @transform_0, window_bounds = array<i64: 96, 5941>}, {pipeline_mode = #tpu.pipeline_mode<synchronous>, transform_indices = @transform_1, window_bounds = array<i64: 5941, 32>}, {pipeline_mode = #tpu.pipeline_mode<synchronous>, transform_indices = @transform_2, window_bounds = array<i64: 1, 32>}, {transform_indices = @transform_3, window_bounds = array<i64: 1, 32, 5941>}, {transform_indices = @transform_4, window_bounds = array<i64: 1, 1, 72>}, {transform_indices = @transform_5, window_bounds = array<i64: 96, 32>}, {transform_indices = @transform_6, window_bounds = array<i64: 1, 32, 72>}]} {
    %get3A = arith.constant 0 : index
    %get3A_0 = arith.constant 0 : index
    %get3A_1 = vector.load %arg1[%get3A, %get3A_0] : memref<96x5941xf32, #tpu.memory_space<vmem>>, vector<96x5941xf32>
    %convert_element_type3A = arith.truncf %get3A_1 : vector<96x5941xf32> to vector<96x5941xbf16>
    %get3A_2 = arith.constant 0 : index
    %get3A_3 = arith.constant 0 : index
    %get3A_4 = vector.load %arg2[%get3A_2, %get3A_3] : memref<5941x32xf32, #tpu.memory_space<vmem>>, vector<5941x32xf32>
    %convert_element_type3A_5 = arith.truncf %get3A_4 : vector<5941x32xf32> to vector<5941x32xbf16>
    %dot_general3A = arith.constant dense<0.000000e+00> : vector<96x32xf32>
    %dot_general3A_6 = tpu.matmul %convert_element_type3A, %convert_element_type3A_5, %dot_general3A {dimension_numbers = #tpu.dot_dimension_numbers<[1], [0], [0], [1], [0, 0, 1, 1], [], []>, transpose_lhs_hint = false} : vector<96x5941xbf16>, vector<5941x32xbf16>, vector<96x32xf32> -> vector<96x32xf32>
    %get3A_7 = arith.constant 0 : index
    %get3A_8 = arith.constant 0 : index
    %get3A_9 = vector.load %arg3[%get3A_7, %get3A_8] : memref<1x32xf32, #tpu.memory_space<vmem>>, vector<1x32xf32>
    %add3A = vector.broadcast %get3A_9 : vector<1x32xf32> to vector<96x32xf32>
    %add3A_10 = arith.addf %dot_general3A_6, %add3A : vector<96x32xf32>
    %swap3A = arith.constant 0 : index
    %swap3A_11 = arith.constant 0 : index
    %swap3A_12 = vector.load %arg6[%swap3A, %swap3A_11] : memref<96x32xf32, #tpu.memory_space<vmem>>, vector<96x32xf32>
    tpu.vector_store %arg6[%swap3A, %swap3A_11], %add3A_10 {strides = array<i32>} : memref<96x32xf32, #tpu.memory_space<vmem>>, vector<96x32xf32>,
    %get3A_13 = arith.constant 0 : index
    %get3A_14 = arith.constant 0 : index
    %get3A_15 = arith.constant 0 : index
    %get3A_16 = vector.load %arg5[%get3A_13, %get3A_14, %get3A_15] : memref<1x1x72xi32, #tpu.memory_space<vmem>>, vector<1x1x72xi32>
    %get3A_17 = vector.shape_cast %get3A_16 : vector<1x1x72xi32> to vector<1x72xi32>
    %iota3A = tpu.iota {dimensions = array<i32: 0>} : vector<5941x72xi32>
    %eq3A = vector.broadcast %get3A_17 : vector<1x72xi32> to vector<5941x72xi32>
    %eq3A_18 = arith.cmpi eq, %iota3A, %eq3A : vector<5941x72xi32>
    %convert_element_type3A_19 = arith.extui %eq3A_18 : vector<5941x72xi1> to vector<5941x72xi32>
    %convert_element_type3A_20 = arith.sitofp %convert_element_type3A_19 : vector<5941x72xi32> to vector<5941x72xf32>
    %convert_element_type3A_21 = arith.truncf %convert_element_type3A_20 : vector<5941x72xf32> to vector<5941x72xbf16>
    %get3A_22 = arith.constant 0 : index
    %get3A_23 = arith.constant 0 : index
    %get3A_24 = arith.constant 0 : index
    %get3A_25 = vector.load %arg4[%get3A_22, %get3A_23, %get3A_24] : memref<1x32x5941xf32, #tpu.memory_space<vmem>>, vector<1x32x5941xf32>
    %get3A_26 = vector.shape_cast %get3A_25 : vector<1x32x5941xf32> to vector<32x5941xf32>
    %mul3A = arith.constant 5.000000e-02 : f32
    %mul3A_27 = vector.broadcast %mul3A : f32 to vector<32x5941xf32>
    %mul3A_28 = arith.mulf %get3A_26, %mul3A_27 : vector<32x5941xf32>
    %convert_element_type3A_29 = arith.truncf %mul3A_28 : vector<32x5941xf32> to vector<32x5941xbf16>
    %dot_general3A_30 = arith.constant dense<0.000000e+00> : vector<32x72xf32>
    %dot_general3A_31 = tpu.matmul %convert_element_type3A_29, %convert_element_type3A_21, %dot_general3A_30 {dimension_numbers = #tpu.dot_dimension_numbers<[1], [0], [0], [1], [0, 0, 1, 1], [], []>, transpose_lhs_hint = false} : vector<32x5941xbf16>, vector<5941x72xbf16>, vector<32x72xf32> -> vector<32x72xf32>
    %swap3A_32 = arith.constant 0 : index
    %swap3A_33 = arith.constant 0 : index
    %swap3A_34 = arith.constant 0 : index
    %swap3A_35 = vector.load %arg7[%swap3A_32, %swap3A_33, %swap3A_34] : memref<1x32x72xf32, #tpu.memory_space<vmem>>, vector<1x32x72xf32>
    %swap3A_36 = vector.shape_cast %swap3A_35 : vector<1x32x72xf32> to vector<32x72xf32>
    %swap3A_37 = vector.shape_cast %dot_general3A_31 : vector<32x72xf32> to vector<1x32x72xf32>
    tpu.vector_store %arg7[%swap3A_32, %swap3A_33, %swap3A_34], %swap3A_37 {strides = array<i32>} : memref<1x32x72xf32, #tpu.memory_space<vmem>>, vector<1x32x72xf32>,
    return
  }
  func.func @transform_0(%arg0: i32) -> (i32, i32) {
    %min3A = arith.constant 61 : i32
    %min3A_0 = arith.minsi %arg0, %min3A : i32
    %c0_i32 = arith.constant 0 : i32
    %c0_i32_1 = arith.constant 0 : i32
    return %min3A_0, %c0_i32 : i32, i32
  }
  func.func @transform_1(%arg0: i32) -> (i32, i32) {
    %c0_i32 = arith.constant 0 : i32
    %c0_i32_0 = arith.constant 0 : i32
    %c0_i32_1 = arith.constant 0 : i32
    return %c0_i32, %c0_i32_0 : i32, i32
  }
  func.func @transform_2(%arg0: i32) -> (i32, i32) {
    %c0_i32 = arith.constant 0 : i32
    %c0_i32_0 = arith.constant 0 : i32
    %c0_i32_1 = arith.constant 0 : i32
    return %c0_i32, %c0_i32_0 : i32, i32
  }
  func.func @transform_3(%arg0: i32) -> (i32, i32, i32) {
    %c0_i32 = arith.constant 0 : i32
    %c0_i32_0 = arith.constant 0 : i32
    %c0_i32_1 = arith.constant 0 : i32
    return %arg0, %c0_i32, %c0_i32_0 : i32, i32, i32
  }
  func.func @transform_4(%arg0: i32) -> (i32, i32, i32) {
    %c0_i32 = arith.constant 0 : i32
    %c0_i32_0 = arith.constant 0 : i32
    %c0_i32_1 = arith.constant 0 : i32
    return %arg0, %c0_i32, %c0_i32_0 : i32, i32, i32
  }
  func.func @transform_5(%arg0: i32) -> (i32, i32) {
    %c0_i32 = arith.constant 0 : i32
    %c0_i32_0 = arith.constant 0 : i32
    return %arg0, %c0_i32 : i32, i32
  }
  func.func @transform_6(%arg0: i32) -> (i32, i32, i32) {
    %c0_i32 = arith.constant 0 : i32
    %c0_i32_0 = arith.constant 0 : i32
    %c0_i32_1 = arith.constant 0 : i32
    return %arg0, %c0_i32, %c0_i32_0 : i32, i32, i32
  }
}

module attributes {stable_mosaic.version = 14 : i64} {
  func.func @_loop_body(%arg0: memref<64x32x72xf32, #tpu.memory_space<vmem>>, %arg1: memref<4096x128xf32, #tpu.memory_space<vmem>>, %arg2: memref<64x128xf32, #tpu.memory_space<vmem>>, %arg3: memref<4096x1xi32, #tpu.memory_space<vmem>>, %arg4: memref<64x1xi32, #tpu.memory_space<vmem>>, %arg5: memref<64x64x64xf32, #tpu.memory_space<vmem>>, %arg6: memref<4096x32xbf16, #tpu.memory_space<vmem>>, %arg7: memref<64x32xf32, #tpu.memory_space<vmem>>, %arg8: memref<64x64x64xf32, #tpu.memory_space<vmem>>, %arg9: memref<64x64xf32, #tpu.memory_space<vmem>>) attributes {dimension_semantics = [], scalar_prefetch = 0 : i64, scratch_operands = 4 : i64, tpu.core_type = #tpu.core_type<tc>} {
    %get3A = arith.constant 0 : index
    %get3A_0 = arith.constant 0 : index
    %get3A_1 = vector.load %arg1[%get3A, %get3A_0] : memref<4096x128xf32, #tpu.memory_space<vmem>>, vector<4096x128xf32>
    %get3A_2 = arith.constant 0 : index
    %get3A_3 = arith.constant 0 : index
    %get3A_4 = vector.load %arg3[%get3A_2, %get3A_3] : memref<4096x1xi32, #tpu.memory_space<vmem>>, vector<4096x1xi32>
    %slice3A = vector.extract_strided_slice %get3A_1 {offsets = [0, 0], sizes = [4096, 32], strides = [1, 1]} : vector<4096x128xf32> to vector<4096x32xf32>
    %eq3A = arith.constant 1 : i32
    %eq3A_5 = vector.broadcast %eq3A : i32 to vector<4096x1xi32>
    %eq3A_6 = arith.cmpi eq, %get3A_4, %eq3A_5 : vector<4096x1xi32>
    %slice3A_7 = vector.extract_strided_slice %get3A_1 {offsets = [0, 32], sizes = [4096, 32], strides = [1, 1]} : vector<4096x128xf32> to vector<4096x32xf32>
    %broadcast_in_dim3A = vector.shape_cast %eq3A_6 : vector<4096x1xi1> to vector<4096x1xi1>
    %broadcast_in_dim3A_8 = vector.broadcast %broadcast_in_dim3A : vector<4096x1xi1> to vector<4096x32xi1>
    %select_n3A = arith.select %broadcast_in_dim3A_8, %slice3A_7, %slice3A : vector<4096x32xi1>, vector<4096x32xf32>
    %eq3A_9 = arith.constant 2 : i32
    %eq3A_10 = vector.broadcast %eq3A_9 : i32 to vector<4096x1xi32>
    %eq3A_11 = arith.cmpi eq, %get3A_4, %eq3A_10 : vector<4096x1xi32>
    %slice3A_12 = vector.extract_strided_slice %get3A_1 {offsets = [0, 64], sizes = [4096, 32], strides = [1, 1]} : vector<4096x128xf32> to vector<4096x32xf32>
    %broadcast_in_dim3A_13 = vector.shape_cast %eq3A_11 : vector<4096x1xi1> to vector<4096x1xi1>
    %broadcast_in_dim3A_14 = vector.broadcast %broadcast_in_dim3A_13 : vector<4096x1xi1> to vector<4096x32xi1>
    %select_n3A_15 = arith.select %broadcast_in_dim3A_14, %slice3A_12, %select_n3A : vector<4096x32xi1>, vector<4096x32xf32>
    %eq3A_16 = arith.constant 3 : i32
    %eq3A_17 = vector.broadcast %eq3A_16 : i32 to vector<4096x1xi32>
    %eq3A_18 = arith.cmpi eq, %get3A_4, %eq3A_17 : vector<4096x1xi32>
    %slice3A_19 = vector.extract_strided_slice %get3A_1 {offsets = [0, 96], sizes = [4096, 32], strides = [1, 1]} : vector<4096x128xf32> to vector<4096x32xf32>
    %broadcast_in_dim3A_20 = vector.shape_cast %eq3A_18 : vector<4096x1xi1> to vector<4096x1xi1>
    %broadcast_in_dim3A_21 = vector.broadcast %broadcast_in_dim3A_20 : vector<4096x1xi1> to vector<4096x32xi1>
    %select_n3A_22 = arith.select %broadcast_in_dim3A_21, %slice3A_19, %select_n3A_15 : vector<4096x32xi1>, vector<4096x32xf32>
    %mul3A = arith.constant 5.000000e-02 : f32
    %mul3A_23 = vector.broadcast %mul3A : f32 to vector<4096x32xf32>
    %mul3A_24 = arith.mulf %select_n3A_22, %mul3A_23 : vector<4096x32xf32>
    %convert_element_type3A = arith.truncf %mul3A_24 : vector<4096x32xf32> to vector<4096x32xbf16>
    %swap3A = arith.constant 0 : index
    %swap3A_25 = arith.constant 0 : index
    %swap3A_26 = vector.load %arg6[%swap3A, %swap3A_25] : memref<4096x32xbf16, #tpu.memory_space<vmem>>, vector<4096x32xbf16>
    tpu.vector_store %arg6[%swap3A, %swap3A_25], %convert_element_type3A {strides = array<i32>} : memref<4096x32xbf16, #tpu.memory_space<vmem>>, vector<4096x32xbf16>,
    %get3A_27 = arith.constant 0 : index
    %get3A_28 = arith.constant 0 : index
    %get3A_29 = vector.load %arg2[%get3A_27, %get3A_28] : memref<64x128xf32, #tpu.memory_space<vmem>>, vector<64x128xf32>
    %get3A_30 = arith.constant 0 : index
    %get3A_31 = arith.constant 0 : index
    %get3A_32 = vector.load %arg4[%get3A_30, %get3A_31] : memref<64x1xi32, #tpu.memory_space<vmem>>, vector<64x1xi32>
    %slice3A_33 = vector.extract_strided_slice %get3A_29 {offsets = [0, 0], sizes = [64, 32], strides = [1, 1]} : vector<64x128xf32> to vector<64x32xf32>
    %eq3A_34 = arith.constant 1 : i32
    %eq3A_35 = vector.broadcast %eq3A_34 : i32 to vector<64x1xi32>
    %eq3A_36 = arith.cmpi eq, %get3A_32, %eq3A_35 : vector<64x1xi32>
    %slice3A_37 = vector.extract_strided_slice %get3A_29 {offsets = [0, 32], sizes = [64, 32], strides = [1, 1]} : vector<64x128xf32> to vector<64x32xf32>
    %broadcast_in_dim3A_38 = vector.shape_cast %eq3A_36 : vector<64x1xi1> to vector<64x1xi1>
    %broadcast_in_dim3A_39 = vector.broadcast %broadcast_in_dim3A_38 : vector<64x1xi1> to vector<64x32xi1>
    %select_n3A_40 = arith.select %broadcast_in_dim3A_39, %slice3A_37, %slice3A_33 : vector<64x32xi1>, vector<64x32xf32>
    %eq3A_41 = arith.constant 2 : i32
    %eq3A_42 = vector.broadcast %eq3A_41 : i32 to vector<64x1xi32>
    %eq3A_43 = arith.cmpi eq, %get3A_32, %eq3A_42 : vector<64x1xi32>
    %slice3A_44 = vector.extract_strided_slice %get3A_29 {offsets = [0, 64], sizes = [64, 32], strides = [1, 1]} : vector<64x128xf32> to vector<64x32xf32>
    %broadcast_in_dim3A_45 = vector.shape_cast %eq3A_43 : vector<64x1xi1> to vector<64x1xi1>
    %broadcast_in_dim3A_46 = vector.broadcast %broadcast_in_dim3A_45 : vector<64x1xi1> to vector<64x32xi1>
    %select_n3A_47 = arith.select %broadcast_in_dim3A_46, %slice3A_44, %select_n3A_40 : vector<64x32xi1>, vector<64x32xf32>
    %eq3A_48 = arith.constant 3 : i32
    %eq3A_49 = vector.broadcast %eq3A_48 : i32 to vector<64x1xi32>
    %eq3A_50 = arith.cmpi eq, %get3A_32, %eq3A_49 : vector<64x1xi32>
    %slice3A_51 = vector.extract_strided_slice %get3A_29 {offsets = [0, 96], sizes = [64, 32], strides = [1, 1]} : vector<64x128xf32> to vector<64x32xf32>
    %broadcast_in_dim3A_52 = vector.shape_cast %eq3A_50 : vector<64x1xi1> to vector<64x1xi1>
    %broadcast_in_dim3A_53 = vector.broadcast %broadcast_in_dim3A_52 : vector<64x1xi1> to vector<64x32xi1>
    %select_n3A_54 = arith.select %broadcast_in_dim3A_53, %slice3A_51, %select_n3A_47 : vector<64x32xi1>, vector<64x32xf32>
    %mul3A_55 = arith.constant 5.000000e-02 : f32
    %mul3A_56 = vector.broadcast %mul3A_55 : f32 to vector<64x32xf32>
    %mul3A_57 = arith.mulf %select_n3A_54, %mul3A_56 : vector<64x32xf32>
    %convert_element_type3A_58 = arith.truncf %mul3A_57 : vector<64x32xf32> to vector<64x32xbf16>
    %convert_element_type3A_59 = arith.extf %convert_element_type3A_58 : vector<64x32xbf16> to vector<64x32xf32>
    %swap3A_60 = arith.constant 0 : index
    %swap3A_61 = arith.constant 0 : index
    %swap3A_62 = vector.load %arg7[%swap3A_60, %swap3A_61] : memref<64x32xf32, #tpu.memory_space<vmem>>, vector<64x32xf32>
    tpu.vector_store %arg7[%swap3A_60, %swap3A_61], %convert_element_type3A_59 {strides = array<i32>} : memref<64x32xf32, #tpu.memory_space<vmem>>, vector<64x32xf32>,
    %scan3A = arith.constant 0 : i32
    %scan3A_63 = arith.constant 64 : i32
    %scan3A_64 = arith.addi %scan3A, %scan3A_63 : i32
    %scan3A_65 = arith.constant 1 : i32
    scf.for %scan3A_78 = %scan3A to %scan3A_64 step %scan3A_65  : i32 {
      %get3A_79 = arith.index_cast %scan3A_78 : i32 to index
      %get3A_80 = arith.constant 0 : index
      %get3A_81 = arith.constant 0 : index
      %get3A_82 = vector.load %arg0[%get3A_79, %get3A_80, %get3A_81] : memref<64x32x72xf32, #tpu.memory_space<vmem>>, vector<1x32x72xf32>
      %squeeze3A = vector.shape_cast %get3A_82 : vector<1x32x72xf32> to vector<32x72xf32>
      %slice3A_83 = vector.extract_strided_slice %squeeze3A {offsets = [0, 0], sizes = [32, 64], strides = [1, 1]} : vector<32x72xf32> to vector<32x64xf32>
      %convert_element_type3A_84 = arith.truncf %slice3A_83 : vector<32x64xf32> to vector<32x64xbf16>
      %slice3A_85 = vector.extract_strided_slice %squeeze3A {offsets = [0, 64], sizes = [32, 1], strides = [1, 1]} : vector<32x72xf32> to vector<32x1xf32>
      %convert_element_type3A_86 = arith.truncf %slice3A_85 : vector<32x1xf32> to vector<32x1xbf16>
      %mul3A_87 = arith.constant 64 : i32
      %mul3A_88 = arith.muli %scan3A_78, %mul3A_87 : i32
      %get3A_89 = arith.index_cast %mul3A_88 : i32 to index
      %get3A_90 = arith.constant 0 : index
      %get3A_91 = vector.load %arg6[%get3A_89, %get3A_90] : memref<4096x32xbf16, #tpu.memory_space<vmem>>, vector<64x32xbf16>
      %get3A_92 = arith.index_cast %scan3A_78 : i32 to index
      %get3A_93 = arith.constant 0 : index
      %get3A_94 = vector.load %arg7[%get3A_92, %get3A_93] : memref<64x32xf32, #tpu.memory_space<vmem>>, vector<1x32xf32>
      %convert_element_type3A_95 = arith.truncf %get3A_94 : vector<1x32xf32> to vector<1x32xbf16>
      %dot_general3A = arith.constant dense<0.000000e+00> : vector<64x64xf32>
      %dot_general3A_96 = tpu.matmul %convert_element_type3A_84, %convert_element_type3A_84, %dot_general3A {dimension_numbers = #tpu.dot_dimension_numbers<[0], [0], [1], [1], [0, 1, 1, 1], [], []>, transpose_lhs_hint = false} : vector<32x64xbf16>, vector<32x64xbf16>, vector<64x64xf32> -> vector<64x64xf32>
      %dot_general3A_97 = arith.constant dense<0.000000e+00> : vector<64x64xf32>
      %dot_general3A_98 = tpu.matmul %get3A_91, %get3A_91, %dot_general3A_97 {dimension_numbers = #tpu.dot_dimension_numbers<[1], [1], [0], [0], [0, 0, 1, 0], [], []>, transpose_lhs_hint = false} : vector<64x32xbf16>, vector<64x32xbf16>, vector<64x64xf32> -> vector<64x64xf32>
      %add3A = arith.addf %dot_general3A_96, %dot_general3A_98 : vector<64x64xf32>
      %broadcast_in_dim3A_99 = vector.shape_cast %add3A : vector<64x64xf32> to vector<64x1x64xf32>
      %swap3A_100 = arith.constant 0 : index
      %swap3A_101 = arith.index_cast %scan3A_78 : i32 to index
      %swap3A_102 = arith.constant 0 : index
      %swap3A_103 = vector.load %arg8[%swap3A_100, %swap3A_101, %swap3A_102] : memref<64x64x64xf32, #tpu.memory_space<vmem>>, vector<64x1x64xf32>
      tpu.vector_store %arg8[%swap3A_100, %swap3A_101, %swap3A_102], %broadcast_in_dim3A_99 {strides = array<i32>} : memref<64x64x64xf32, #tpu.memory_space<vmem>>, vector<64x1x64xf32>,
      %dot_general3A_104 = arith.constant dense<0.000000e+00> : vector<1x64xf32>
      %dot_general3A_105 = tpu.matmul %convert_element_type3A_86, %convert_element_type3A_84, %dot_general3A_104 {dimension_numbers = #tpu.dot_dimension_numbers<[0], [0], [1], [1], [0, 1, 1, 1], [], []>, transpose_lhs_hint = false} : vector<32x1xbf16>, vector<32x64xbf16>, vector<1x64xf32> -> vector<1x64xf32>
      %dot_general3A_106 = arith.constant dense<0.000000e+00> : vector<1x64xf32>
      %dot_general3A_107 = tpu.matmul %convert_element_type3A_95, %get3A_91, %dot_general3A_106 {dimension_numbers = #tpu.dot_dimension_numbers<[1], [1], [0], [0], [0, 0, 1, 0], [], []>, transpose_lhs_hint = false} : vector<1x32xbf16>, vector<64x32xbf16>, vector<1x64xf32> -> vector<1x64xf32>
      %add3A_108 = arith.addf %dot_general3A_105, %dot_general3A_107 : vector<1x64xf32>
      %swap3A_109 = arith.index_cast %scan3A_78 : i32 to index
      %swap3A_110 = arith.constant 0 : index
      %swap3A_111 = vector.load %arg9[%swap3A_109, %swap3A_110] : memref<64x64xf32, #tpu.memory_space<vmem>>, vector<1x64xf32>
      tpu.vector_store %arg9[%swap3A_109, %swap3A_110], %add3A_108 {strides = array<i32>} : memref<64x64xf32, #tpu.memory_space<vmem>>, vector<1x64xf32>,
    }
    %scan3A_66 = arith.constant 64 : i32
    %iota3A = tpu.iota {dimensions = array<i32: 1>} : vector<64x64xi32>
    %get3A_67 = arith.constant 0 : index
    %get3A_68 = arith.constant 0 : index
    %get3A_69 = vector.load %arg9[%get3A_67, %get3A_68] : memref<64x64xf32, #tpu.memory_space<vmem>>, vector<64x64xf32>
    %broadcast_in_dim3A_70 = arith.constant 1.000000e+00 : f32
    %broadcast_in_dim3A_71 = vector.broadcast %broadcast_in_dim3A_70 : f32 to vector<64x64xf32>
    %scan3A_72 = arith.constant 0 : i32
    %scan3A_73 = arith.constant 64 : i32
    %scan3A_74 = arith.addi %scan3A_72, %scan3A_73 : i32
    %scan3A_75 = arith.constant 1 : i32
    %scan3A_76:2 = scf.for %scan3A_78 = %scan3A_72 to %scan3A_74 step %scan3A_75 iter_args(%scan3A_79 = %get3A_69, %scan3A_80 = %broadcast_in_dim3A_71) -> (vector<64x64xf32>, vector<64x64xf32>)  : i32 {
      %reduce_max3A = arith.constant dense<0xFF800000> : vector<64xf32>
      %reduce_max3A_81 = vector.multi_reduction <maximumf>, %scan3A_79, %reduce_max3A [1] : vector<64x64xf32> to vector<64xf32>
      %broadcast_in_dim3A_82 = vector.shape_cast %reduce_max3A_81 : vector<64xf32> to vector<64x1xf32>
      %sub3A = vector.broadcast %broadcast_in_dim3A_82 : vector<64x1xf32> to vector<64x64xf32>
      %sub3A_83 = arith.subf %scan3A_79, %sub3A : vector<64x64xf32>
      %exp3A = math.exp %sub3A_83 : vector<64x64xf32>
      %reduce_sum3A = arith.constant dense<0.000000e+00> : vector<64xf32>
      %reduce_sum3A_84 = vector.multi_reduction <add>, %exp3A, %reduce_sum3A [1] : vector<64x64xf32> to vector<64xf32>
      %broadcast_in_dim3A_85 = vector.shape_cast %reduce_sum3A_84 : vector<64xf32> to vector<64x1xf32>
      %div3A = vector.broadcast %broadcast_in_dim3A_85 : vector<64x1xf32> to vector<64x64xf32>
      %div3A_86 = arith.divf %exp3A, %div3A : vector<64x64xf32>
      %broadcast_in_dim3A_87 = vector.shape_cast %div3A_86 : vector<64x64xf32> to vector<1x64x64xf32>
      %swap3A_88 = arith.index_cast %scan3A_78 : i32 to index
      %swap3A_89 = arith.constant 0 : index
      %swap3A_90 = arith.constant 0 : index
      %swap3A_91 = vector.load %arg5[%swap3A_88, %swap3A_89, %swap3A_90] : memref<64x64x64xf32, #tpu.memory_space<vmem>>, vector<1x64x64xf32>
      tpu.vector_store %arg5[%swap3A_88, %swap3A_89, %swap3A_90], %broadcast_in_dim3A_87 {strides = array<i32>} : memref<64x64x64xf32, #tpu.memory_space<vmem>>, vector<1x64x64xf32>,
      %mul3A_92 = arith.mulf %scan3A_79, %scan3A_80 : vector<64x64xf32>
      %reduce_max3A_93 = arith.constant dense<0xFF800000> : vector<64xf32>
      %reduce_max3A_94 = vector.multi_reduction <maximumf>, %mul3A_92, %reduce_max3A_93 [1] : vector<64x64xf32> to vector<64xf32>
      %broadcast_in_dim3A_95 = vector.shape_cast %reduce_max3A_94 : vector<64xf32> to vector<64x1xf32>
      %eq3A_96 = vector.broadcast %broadcast_in_dim3A_95 : vector<64x1xf32> to vector<64x64xf32>
      %eq3A_97 = arith.cmpf oeq, %mul3A_92, %eq3A_96 : vector<64x64xf32>
      %jit3A = arith.constant 64 : i32
      %broadcast_in_dim3A_98 = vector.broadcast %jit3A : i32 to vector<64x64xi32>
      %select_n3A_99 = arith.select %eq3A_97, %iota3A, %broadcast_in_dim3A_98 : vector<64x64xi1>, vector<64x64xi32>
      %reduce_min3A = arith.constant dense<2147483647> : vector<64xi32>
      %reduce_min3A_100 = vector.multi_reduction <minsi>, %select_n3A_99, %reduce_min3A [1] : vector<64x64xi32> to vector<64xi32>
      %broadcast_in_dim3A_101 = vector.shape_cast %reduce_min3A_100 : vector<64xi32> to vector<64x1xi32>
      %eq3A_102 = vector.broadcast %broadcast_in_dim3A_101 : vector<64x1xi32> to vector<64x64xi32>
      %eq3A_103 = arith.cmpi eq, %iota3A, %eq3A_102 : vector<64x64xi32>
      %convert_element_type3A_104 = arith.extui %eq3A_103 : vector<64x64xi1> to vector<64x64xi32>
      %convert_element_type3A_105 = arith.sitofp %convert_element_type3A_104 : vector<64x64xi32> to vector<64x64xf32>
      %sub3A_106 = arith.constant 1.000000e+00 : f32
      %sub3A_107 = vector.broadcast %sub3A_106 : f32 to vector<64x64xf32>
      %sub3A_108 = arith.subf %sub3A_107, %convert_element_type3A_105 : vector<64x64xf32>
      %mul3A_109 = arith.mulf %scan3A_80, %sub3A_108 : vector<64x64xf32>
      %transpose3A = tpu.transpose %convert_element_type3A_105, [1, 0] : vector<64x64xf32> -> vector<64x64xf32>
      %get3A_110 = arith.constant 0 : index
      %get3A_111 = arith.constant 0 : index
      %get3A_112 = arith.constant 0 : index
      %get3A_113 = vector.load %arg8[%get3A_110, %get3A_111, %get3A_112] : memref<64x64x64xf32, #tpu.memory_space<vmem>>, vector<64x64x64xf32>
      %broadcast_in_dim3A_114 = vector.shape_cast %transpose3A : vector<64x64xf32> to vector<64x64x1xf32>
      %mul3A_115 = vector.broadcast %broadcast_in_dim3A_114 : vector<64x64x1xf32> to vector<64x64x64xf32>
      %mul3A_116 = arith.mulf %get3A_113, %mul3A_115 : vector<64x64x64xf32>
      %reduce_sum3A_117 = arith.constant dense<0.000000e+00> : vector<64x64xf32>
      %reduce_sum3A_118 = vector.multi_reduction <add>, %mul3A_116, %reduce_sum3A_117 [0] : vector<64x64x64xf32> to vector<64x64xf32>
      scf.yield %reduce_sum3A_118, %mul3A_109 : vector<64x64xf32>, vector<64x64xf32>
    }
    %scan3A_77 = arith.constant 64 : i32
    return
  }
}

</mosaic_0001>

<sc_bundles>
// kernel: kernel.5.cloned.1.call-start
scs
__scs_entry_jumppad:
0x0: {  	(pc) =	sbr.rel $0x88, $3  }
0x1: {  	(tag) =	ssettag $0x0;
	lr =	simm.s32 $0x1  }
0x2: {  	[smem:$0x3F9B] =	sst lr;
	_ =	strace $0xD0000000  }
0x3: {  	_ = 	snop  }
0x4: {  	_ = 	snop  }
0x5: {  	_ = 	snop  }
0x6: {  	_ = 	snop  }
0x7: {  	_ = 	snop  }
__scs_overlays_trampoline_lowered:
0x8: {  	[smem:$0x3FAA] =	sst s0  }
0x9: {  	[smem:$0x3FAB] =	sst s1  }
0xa: {  	[smem:$0x3FAC] =	sst s2  }
0xb: {  	[smem:$0x3FAD] =	sst s3  }
0xc: {  	[smem:$0x3FAE] =	sst s4  }
0xd: {  	[smem:$0x3FAF] =	sst s5  }
0xe: {  	[smem:$0x3FB0] =	sst s6  }
0xf: {  	[smem:$0x3FB1] =	sst s7  }
0x10: {  	[smem:$0x3FB2] =	sst s8  }
0x11: {  	[smem:$0x3FB3] =	sst s9;
	s0 =	simm.s32 @!p0 $0x0  }
0x12: {  	s1 =	sld [smem:$0x3F99];
	s0 =	simm.s32 @p0 $0x1  }
0x13: {  	[smem:$0x3FB4] =	sst s0;
	s0 =	simm.s32 @!p1 $0x0  }
0x14: {  	s2 =	sld [smem:$0x3F98];
	s0 =	simm.s32 @p1 $0x1  }
0x15: {  	[smem:$0x3FB5] =	sst s0;
	s0 =	simm.s32 @!p2 $0x0  }
0x16: {  	s3 =	sld [smem:$0x3FDB];
	s0 =	simm.s32 @p2 $0x1  }
0x17: {  	s4 =	simm.s32 $0x1BF5;
	[smem:$0x3FB7] =	sst s0  }
0x18: {  	s0 =	sld [smem:$0x3F9A];
	_ =	swait.ge [sflag:s4], $0x0  }
0x19: {  	s7 =	sld [smem:$0x3F9B]  }
0x1a: {  	s8 =	sadd.s32 $0xFFFFE003, lr  }
0x1b: {  	s9 =	sadd.s32 $0xFFFFFEF7, lr;
	s5 =	simm.s32 $0xFFFFFFFF;
	p2 =	slt.u32 s8, $0xFFFFF086  }
0x1c: {  	p1 =	slt.u32 s9, $0xF7A;
	s5 =	simm.s32 @!p2 $0x0  }
0x1d: {  	s5 =	simm.s32 @p1 $0x1;
	p0 =	seq.s32 s7, s2  }
0x1e: {  	s7 =	smul.u32 @!p0 $0xF7A, s2;
	p2 =	seq.s32 @!p0 s5, $0x0  }
0x1f: {  	s9 =	smul.u32 $0xF7A, s1;
	s8 =	simm.s32 @!p0 $0x1BF5;
	p2 =	por !p2, p0  }
0x20: {  	[sflag:s8] =	ssyncset.s32 @!p0 $0xFFFFF086;
	s6 =	sadd.s32 @!p0 s3, s7;
	s7 =	simm.s32 @!p0 $0x108  }
0x21: {  	s3 =	sadd.s32 s3, s9;
	s6 =	sadd.s32 @!p0 $0x88, s6;
	s7 =	simm.s32 @p2 $0x1082  }
0x22: {  	[simem:s7], [sflag:s8] =	dma.local @!p0 [hbm:s6], $0xF7A  }
0x23: {  	s9 =	sor.u32 $0xD0000000, s2;
	s6 =	simm.s32 $0x108;
	_ =	swait.ge @!p0 [sflag:s8], $0x0  }
0x24: {  	s3 =	sadd.s32 $0x88, s3;
	s6 =	simm.s32 @!p1 $0x1082;
	[sflag:s4] =	ssyncset.s32 $0xFFFFF086  }
0x25: {  	[simem:s6], [sflag:s4] =	dma.local [hbm:s3], $0xF7A  }
0x26: {  	[smem:$0x3F9B] =	sst s1;
	(tag) =	ssettag s2;
	_ =	strace s9  }
0x27: {  	s1 =	sld [smem:$0x3FAB]  }
0x28: {  	s2 =	sld [smem:$0x3FAC]  }
0x29: {  	s4 =	sld [smem:$0x3FAE]  }
0x2a: {  	p0 =	seq.s32 s5, $0x0;
	s5 =	sld [smem:$0x3FAF]  }
0x2b: {  	s6 =	sld [smem:$0x3FB0]  }
0x2c: {  	s7 =	sld [smem:$0x3FB1]  }
0x2d: {  	s3 =	simm.s32 $0x108;
	s8 =	sld [smem:$0x3FB2]  }
0x2e: {  	s3 =	simm.s32 @!p0 $0x1082;
	s9 =	sld [smem:$0x3FB3]  }
0x2f: {  	lr =	sadd.s32 s0, s3;
	s0 =	sld [smem:$0x3FAA]  }
0x30: {  	s3 =	sld [smem:$0x3FAD]  }
0x31: {  	[smem:$0x3FB6] =	sst s10  }
0x32: {  	s10 =	sld [smem:$0x3FB4];
	_ =	sdelay $0x3  }
0x33: {  	p0 =	seq.s32 s10, $0x1;
	s10 =	sld [smem:$0x3FB6];
	_ =	sdelay $0x3  }
0x34: {  	[smem:$0x3FB6] =	sst s10  }
0x35: {  	s10 =	sld [smem:$0x3FB5];
	_ =	sdelay $0x3  }
0x36: {  	p1 =	seq.s32 s10, $0x1;
	s10 =	sld [smem:$0x3FB6];
	_ =	sdelay $0x3  }
0x37: {  	[smem:$0x3FB6] =	sst s10  }
0x38: {  	s10 =	sld [smem:$0x3FB7]  }
0x39: {  	_ = 	snop;
	(pc) =	sbr.ind lr, $3  }
0x3a: {  	_ = 	snop  }
0x3b: {  	_ = 	snop  }
0x3c: {  	p2 =	seq.s32 s10, $0x1;
	s10 =	sld [smem:$0x3FB6]  }
0x3d: {  	_ =	shalt  }
0x3e: {  	_ =	shalt  }
0x3f: {  	_ =	shalt  }
0x40: {  	_ =	shalt  }
0x41: {  	_ =	shalt  }
0x42: {  	_ =	shalt  }
0x43: {  	_ =	shalt  }
0x44: {  	_ =	shalt  }
0x45: {  	_ =	shalt  }
0x46: {  	_ =	shalt  }
0x47: {  	_ =	shalt  }
0x48: {  	_ =	shalt  }
0x49: {  	_ =	shalt  }
0x4a: {  	_ =	shalt  }
0x4b: {  	_ =	shalt  }
0x4c: {  	_ =	shalt  }
0x4d: {  	_ =	shalt  }
0x4e: {  	_ =	shalt  }
0x4f: {  	_ =	shalt  }
0x50: {  	_ =	shalt  }
0x51: {  	_ =	shalt  }
0x52: {  	_ =	shalt  }
0x53: {  	_ =	shalt  }
0x54: {  	_ =	shalt  }
0x55: {  	_ =	shalt  }
0x56: {  	_ =	shalt  }
0x57: {  	_ =	shalt  }
0x58: {  	_ =	shalt  }
0x59: {  	_ =	shalt  }
0x5a: {  	_ =	shalt  }
0x5b: {  	_ =	shalt  }
0x5c: {  	_ =	shalt  }
0x5d: {  	_ =	shalt  }
0x5e: {  	_ =	shalt  }
0x5f: {  	_ =	shalt  }
0x60: {  	_ =	shalt  }
0x61: {  	_ =	shalt  }
0x62: {  	_ =	shalt  }
0x63: {  	_ =	shalt  }
0x64: {  	_ =	shalt  }
0x65: {  	_ =	shalt  }
0x66: {  	_ =	shalt  }
0x67: {  	_ =	shalt  }
0x68: {  	_ =	shalt  }
0x69: {  	_ =	shalt  }
0x6a: {  	_ =	shalt  }
0x6b: {  	_ =	shalt  }
0x6c: {  	_ =	shalt  }
0x6d: {  	_ =	shalt  }
0x6e: {  	_ =	shalt  }
0x6f: {  	_ =	shalt  }
0x70: {  	_ =	shalt  }
0x71: {  	_ =	shalt  }
0x72: {  	_ =	shalt  }
0x73: {  	_ =	shalt  }
0x74: {  	_ =	shalt  }
0x75: {  	_ =	shalt  }
0x76: {  	_ =	shalt  }
0x77: {  	_ =	shalt  }
0x78: {  	_ =	shalt  }
0x79: {  	_ =	shalt  }
0x7a: {  	_ =	shalt  }
0x7b: {  	_ =	shalt  }
0x7c: {  	_ =	shalt  }
0x7d: {  	_ =	shalt  }
0x7e: {  	_ =	shalt  }
0x7f: {  	_ =	shalt  }
0x80: {  	_ =	shalt  }
0x81: {  	_ =	shalt  }
0x82: {  	_ =	shalt  }
0x83: {  	_ =	shalt  }
0x84: {  	_ =	shalt  }
0x85: {  	_ =	shalt  }
0x86: {  	_ =	shalt  }
0x87: {  	_ =	shalt  }
.Lfunc_end0:
.L_simem_size_0:
called_computation_lowered:
.L_overlay_start_0:
0x88: {  	s2 =	sld [smem:$0x3FD9]  }
0x89: {  	s3 =	sld [smem:$0x3FFE];
	_ =	sdelay $0x1  }
0x8a: {  	s1 =	srdreg.scid  }
0x8b: {  	s0 =	sand.u32 $0x1, s1  }
0x8c: {  	s17 =	sshll.u32 s0, $0xA;
	s2 =	sadd.s32 s3, s2  }
0x8d: {  	s2 =	sadd.s32 s2, s17  }
0x8e: {  	[smem:$0x3FC2] =	sst s2  }
0x8f: {  	_ = 	snop  }
0x90: {  	s2 =	sld [smem:$0x3FD0];
	(tm) =	ssettm $0x1  }
0x91: {  	s18 =	sld [smem:$0x3FFB];
	_ =	sdelay $0x3  }
0x92: {  	_ =	strace s18  }
0x93: {  	s3 =	sld [smem:$0x3FFC];
	_ =	sdelay $0x3  }
0x94: {  	_ =	strace s3  }
0x95: {  	s3 =	sld [smem:$0x3FFD];
	_ =	sdelay $0x3  }
0x96: {  	_ =	strace s3  }
0x97: {  	_ =	strace $0x8FFFFFFF  }
0x98: {  	s19 =	sld [smem:$0x3FDB];
	_ =	sdelay $0x1  }
0x99: {  	s4 =	simm.s32 $_scs_section_size  }
0x9a: {  	s5 =	simm.s32 $_size__tile_overlayer_lowered;
	s6 =	simm.s32 $_tile_overlayer_lowered  }
0x9b: {  	s22 =	simm.s32 $0x1BFF;
	s21 =	sshll.u32 s6, $0x1;
	s3 =	sadd.s32 s4, s19  }
0x9c: {  	s7 =	simm.s32 $0x0;
	s20 =	sshll.u32 s5, $0x1;
	s5 =	sadd.s32 s21, s3  }
0x9d: {  	[timem:s7], [sflag:s22] =	dma.local [hbm:s5], s20  }
0x9e: {  	_ =	swait.ge [sflag:s22], s20  }
0x9f: {  	s4 =	ssub.s32 $0x0, s20;
	[sflag:s22] =	ssyncset.done $0x0  }
0xa0: {  	[sflag:s22] =	ssyncadd.s32 s4;
	_ =	sdelay $0x1  }
0xa1: {  	s23 =	simm.s32 $0x1B8B  }
0xa2: {  	_ =	swait.ge [sflag:s23], $0x1  }
0xa3: {  	[sflag:s23] =	ssyncset.done $0x0  }
0xa4: {  	s25 =	simm.s32 $0x1B8E;
	s24 =	sld [smem:$0x3FFE];
	[sflag:s23] =	ssyncadd.s32 $0xFFFFFFFF  }
0xa5: {  	s26 =	simm.s32 $execute0_lowered;
	[smem:$0x3FD2] =	sst s25  }
0xa6: {  	s5 =	sshll.u32 s26, $0x1;
	_ =	strace $0x80000046;
	[dreg:$0x1] =	wrdreg $0xFFFFFFFF  }
0xa7: {  	s28 =	simm.s32 $_size_execute0_lowered;
	s3 =	sadd.s32 s3, s5;
	[dreg:$0x0] =	wrdreg $0x0  }
0xa8: {  	s5 =	sshll.u32 s28, $0x1;
	[dreg:$0x2] =	wrdreg s3  }
0xa9: {  	[dreg:$0x3] =	wrdreg s5  }
0xaa: {  	[dreg:$0x4] =	wrdreg $0xC0  }
0xab: {  	_ =	task [dreg:s7], $0x5FFFF  }
0xac: {  	[dreg:$0x1] =	wrdreg $0xFFFFFFFF  }
0xad: {  	[dreg:$0x0] =	wrdreg $0x60  }
0xae: {  	[dreg:$0x2] =	wrdreg s2  }
0xaf: {  	[dreg:$0x3] =	wrdreg s24  }
0xb0: {  	[dreg:$0x4] =	wrdreg $0x9  }
0xb1: {  	_ =	task.clear_ibuf [dreg:s7], $0x5FFFF;
	_ =	strace $0x90000046  }
0xb2: {  	s29 =	simm.s32 $0x9;
	_ =	strace $0x80000048  }
0xb3: {  	_ =	swait.ge [sflag:s29], $0x1  }
0xb4: {  	[sflag:s29] =	ssyncadd.s32 $0xFFFFFFFF  }
0xb5: {  	_ =	strace $0x90000048  }
0xb6: {  	_ =	sfence  }
0xb7: {  	s30 =	sld [smem:$0x0];
	_ =	sdelay $0x2  }
0xb8: {  	s31 =	sshll.u32 s1, $0xD;
	s1 =	sshrl.u32 s1, $0x2  }
0xb9: {  	s3 =	sand.u32 $0x4000, s31;
	s1 =	sadd.s32 s1, s30  }
0xba: {  	s0 =	sor.u32 s3, s0;
	s1 =	sshll.u32 s1, $0x11  }
0xbb: {  	s0 =	sor.u32 s1, s0  }
0xbc: {  	s0 =	sadd.s32 $0x8F2B, s0  }
0xbd: {  	[sflag:s0] =	ssyncadd.remote.s32 $0x1  }
0xbe: {  	_ =	sfence.sel $0xFFFF  }
0xbf: {  	[dreg:$0x0] =	wrdreg $0xFFFFFFFF;
	(pc) =	sbr.abs _section_cstart, $3  }
0xc0: {  	[dreg:$0x1] =	wrdreg $0xFFFFFFFF  }
0xc1: {  	_ =	task.clear_ibuf [dreg:s7], $0x2FFFF;
	_ =	strace $0x9FFFFFFF  }
0xc2: {  	(tm) =	ssettm $0x7FFFFFFF  }
0xc3: {  	_ =	shalt  }
tec
execute0_lowered:
.L_overlay_start_1:
0x0: {  	(tag) =	ssettag $0x1  }
0x1: {  	s1 =	srdreg.scid;
	s0 =	stileid.u32  }
0x2: {  	s9 =	sand.u32 $0x1, s1;
	s30 =	sshll.u32 s0, $0x1  }
0x3: {  	s2 =	rddreg [dreg:$0x0];
	s10 =	sor.u32 s9, s30  }
0x4: {  	s11 =	rddreg [dreg:$0x1];
	s4 =	smul.u32 $0x11, s10  }
0x5: {  	s3 =	simm.s32 $0x0;
	s1 =	rddreg [dreg:$0x2]  }
0x6: {  	[smem:$0x7FF] =	sst s3;
	s4 =	sadd.s32 s4, s11  }
0x7: {  	_ =	strace $0x80000047;
	s5 =	sadd.s32 $0xE00, s4;
	s4 =	simm.s32 $0x2  }
0x8: {  	[tilespmem:s3], [sflag:$0x2] =	stream.linear.gather [hbm4b:s5+s3], $0x88, $0x38;
	[tilespmem:$0x4500] =	vst v63  }
0x9: {  	s6 =	simm.s32 $0x80;
	_ =	swait.ge [sflag:s4], $0x88  }
0xa: {  	s7 =	simm.s32 $0x100;
	s8 =	simm.s32 $0x1;
	[sflag:s4] =	ssyncset.done $0x0  }
0xb: {  	s13 =	ssub.s32 $0x2, s9;
	s9 =	simm.s32 $0x8;
	[sflag:s4] =	ssyncadd.s32 $0xFFFFFF78  }
0xc: {  	[tilespmem:s7], [sflag:$0x1] =	stream.indirect.gather [hbm4b:s2+s6], $0x80, s3, s6, $0xb8;
	[tilespmem:$0x4500] =	vst v63  }
0xd: {  	s12 =	smul.u32 $0x880, s10;
	s14 =	sshrl.u32 s13, $0x1;
	_ =	swait.ge [sflag:s8], $0x4000  }
0xe: {  	s10 =	simm.s32 $0x4100;
	s31 =	ssub.s32 s13, s14;
	[sflag:s8] =	ssyncset.done $0x0  }
0xf: {  	s11 =	sadd.s32 s12, s11;
	s12 =	smax.u32 s31, $0x1;
	[sflag:s8] =	ssyncadd.s32 $0xFFFFC000  }
0x10: {  	[tilespmem:s10], [sflag:$0x1] =	stream.indirect.gather [hbm4b:s2+s9], $0x80, s6, s9, $0xb8;
	[tilespmem:$0x4500] =	vst v63  }
0x11: {  	p0 =	sne.s32 s12, $0x1;
	_ =	swait.ge [sflag:s8], $0x400  }
.Ltmp0:
0x12: {  	[sflag:s8] =	ssyncset.done $0x0;
	(pc) =	sbr.rel @!p0 .LBB2_2-.Ltmp0, $4  }
0x13: {  	s11 =	sadd.s32 $0x1200, s11;
	[sflag:s8] =	ssyncadd.s32 $0xFFFFFC00  }
0x14: {  	[hbm4b:s11+s3] =	stream.linear.scatter [tilespmem:s7], [sflag:$0x2], $0x4400, $0x38;
	[tilespmem:$0x4500] =	vst v63  }
0x15: {  	_ =	swait.ge [sflag:s4], $0x4400  }
0x16: {  	s12 =	sadd.s32 $0xFFFFFFFF, s12;
	[sflag:s4] =	ssyncset.done $0x0  }
.LBB2_1:
0x17: {  	p0 =	sne.s32 s12, $0x1;
	s12 =	sadd.s32 $0xFFFFFFFF, s12;
	[sflag:s4] =	ssyncadd.s32 $0xFFFFBC00  }
0x18: {  	[tilespmem:s3], [sflag:$0x2] =	stream.linear.gather [hbm4b:s5+s3], $0x88, $0x38;
	[tilespmem:$0x4500] =	vst v63  }
0x19: {  	_ =	swait.ge [sflag:s4], $0x88  }
0x1a: {  	[sflag:s4] =	ssyncset.done $0x0  }
0x1b: {  	[sflag:s4] =	ssyncadd.s32 $0xFFFFFF78  }
0x1c: {  	[tilespmem:s7], [sflag:$0x1] =	stream.indirect.gather [hbm4b:s2+s6], $0x80, s3, s6, $0xb8;
	[tilespmem:$0x4500] =	vst v63  }
0x1d: {  	_ =	swait.ge [sflag:s8], $0x4000  }
0x1e: {  	[sflag:s8] =	ssyncset.done $0x0  }
0x1f: {  	[sflag:s8] =	ssyncadd.s32 $0xFFFFC000  }
0x20: {  	[tilespmem:s10], [sflag:$0x1] =	stream.indirect.gather [hbm4b:s2+s9], $0x80, s6, s9, $0xb8;
	[tilespmem:$0x4500] =	vst v63  }
0x21: {  	_ =	swait.ge [sflag:s8], $0x400  }
.Ltmp1:
0x22: {  	[sflag:s8] =	ssyncset.done $0x0;
	(pc) =	sbr.rel @p0 .LBB2_1-.Ltmp1, $4  }
0x23: {  	[sflag:s8] =	ssyncadd.s32 $0xFFFFFC00  }
0x24: {  	[hbm4b:s11+s3] =	stream.linear.scatter [tilespmem:s7], [sflag:$0x2], $0x4400, $0x38;
	[tilespmem:$0x4500] =	vst v63  }
0x25: {  	_ =	swait.ge [sflag:s4], $0x4400  }
0x26: {  	[sflag:s4] =	ssyncset.done $0x0  }
.LBB2_2:
0x27: {  	[sflag:s4] =	ssyncadd.s32 $0xFFFFBC00  }
0x28: {  	_ =	sfence.sel $0x180000  }
0x29: {  	[bflag:$0x0] =	sbarrier.arrive $0xFFFF  }
0x2a: {  	p0 =	sne.s32 s0, $0x0;
	_ =	strace $0x90000047  }
0x2b: {  	s0 =	sadd.s32 @!p0 $0x100000, s1;
	[bflag:$0x2] =	sbarrier.arrive $0xFFFF  }
0x2c: {  	[sflag:s0] =	ssyncadd.tile.s32 @!p0 $0x1;
	_ =	shalt  }
.Lfunc_end2:
_tile_overlayer_lowered:
.L_overlay_start_2:
0x2d: {  	(tag) =	ssettag $0x2  }
0x2e: {  	s0 =	rddreg [dreg:$0x0];
	s2 =	stileid.u32  }
0x2f: {  	s1 =	rddreg [dreg:$0x1];
	p0 =	sne.s32 s2, $0x0  }
0x30: {  	s3 =	rddreg [dreg:$0x2];
	[bflag:$0x3] =	sbarrier.arrive $0xFFFF;
	s2 =	simm.s32 @!p0 $0x1C02  }
0x31: {  	[timem:s3], [sflag:s2] =	dma.local @!p0 [hbm:s0], s1  }
0x32: {  	s0 =	simm.s32 @!p0 $0x2  }
0x33: {  	_ =	swait.ge @!p0 [sflag:s0], s1  }
0x34: {  	s1 =	ssub.s32 @!p0 $0x0, s1;
	[sflag:s0] =	ssyncset.done @!p0 $0x0  }
0x35: {  	[sflag:s0] =	ssyncadd.s32 @!p0 s1  }
0x36: {  	[bflag:$0x3] =	sbarrier.arrive $0xFFFF  }
0x37: {  	_ =	shalt  }

</sc_bundles>
